<compile_context>
chip_gen: v7x
topology: tpu7x:2x2x1
jax: 0.10.2.dev20260603
libtpu: 0.0.44.dev20260713+nightly
codegen_flags: <defaults>
</compile_context>

<pallas_src>
import functools

import jax
import jax.numpy as jnp
from jax import lax
from jax.experimental import pallas as pl
from jax.experimental.pallas import tpu as pltpu
from jax.experimental.pallas import tpu_sc as plsc

_DIM = 128
_VOCAB = 300
_BATCH = 16384

_info = plsc.get_sparse_core_info()
_NC, _NS = _info.num_cores, _info.num_subcores
_NW = _NC * _NS
_B_PER_W = _BATCH // _NW
_CHUNK = 64
_NCHUNK = _B_PER_W // _CHUNK


@functools.partial(
    pl.kernel,
    mesh=plsc.VectorSubcoreMesh(core_axis_name="c", subcore_axis_name="s"),
    out_type=jax.ShapeDtypeStruct((_BATCH, _DIM), jnp.float32),
    scratch_types=[
        pltpu.VMEM_SHARED((_VOCAB, _DIM), jnp.float32),
        pltpu.VMEM_SHARED((_NS, _CHUNK, _DIM), jnp.float32),
        pltpu.VMEM((_B_PER_W,), jnp.int32),
        pltpu.SemaphoreType.DMA,
        pltpu.SemaphoreType.DMA,
    ] + [pltpu.VMEM((_CHUNK, _DIM), jnp.float32) for _ in range(_NCHUNK)]
      + [pltpu.SemaphoreType.DMA for _ in range(2 * _NCHUNK)],
)
def _embed_kernel(idx_hbm, table_hbm, out_hbm, table_sh, out_sh, idx_v, isem,
                  hsem, *bufs_sems):
    bufs = bufs_sems[:_NCHUNK]
    gsems = bufs_sems[_NCHUNK:2 * _NCHUNK]
    ssems = bufs_sems[2 * _NCHUNK:]
    sid = lax.axis_index("s")
    wid = sid * _NC + lax.axis_index("c")
    base = wid * _B_PER_W

    idx_cp = pltpu.async_copy(idx_hbm.at[pl.ds(base, _B_PER_W)], idx_v, isem)
    rows_per_tile = 24
    full_tiles = _VOCAB // rows_per_tile
    last_rows = _VOCAB - rows_per_tile * full_tiles

    @pl.when(sid < full_tiles)
    def _stage_table():
        pltpu.sync_copy(
            table_hbm.at[pl.ds(sid * rows_per_tile, rows_per_tile)],
            table_sh.at[pl.ds(sid * rows_per_tile, rows_per_tile)],
        )

    @pl.when(sid == full_tiles)
    def _stage_table_last():
        pltpu.sync_copy(
            table_hbm.at[pl.ds(full_tiles * rows_per_tile, last_rows)],
            table_sh.at[pl.ds(full_tiles * rows_per_tile, last_rows)],
        )

    plsc.subcore_barrier()
    idx_cp.wait()

    gathers = [
        pltpu.async_copy(
            table_sh.at[idx_v.at[pl.ds(k * _CHUNK, _CHUNK)]],
            bufs[k],
            gsems[k],
        )
        for k in range(_NCHUNK)
    ]
    stores = []
    gathers[0].wait()
    hop = pltpu.async_copy(bufs[0], out_sh.at[sid], hsem)
    for k in range(1, _NCHUNK):
        gathers[k].wait()
        stores.append(pltpu.async_copy(
            bufs[k],
            out_hbm.at[pl.ds(base + k * _CHUNK, _CHUNK)],
            ssems[k],
        ))
    hop.wait()
    stores.append(pltpu.async_copy(
        out_sh.at[sid],
        out_hbm.at[pl.ds(base, _CHUNK)],
        ssems[0],
    ))
    for st in stores:
        st.wait()


def kernel(t, table):
    return _embed_kernel(t.astype(jnp.int32), table)

# --- scband reference (transcript-rebuilt; emitter-appended) ---
"""Pipeline reference for scband-time-embedding-39247411151103 (READ-ONLY COPY).

The authoritative reference and input builder live on the scoring server;
editing this copy changes nothing except your own understanding.
"""

import jax, jax.numpy as jnp
import numpy as np

DIM = 128
VOCAB = 300
BATCH = 16384

def setup_inputs(seed: int = 0) -> dict:
    key = jax.random.key(seed)
    k1, k2 = jax.random.split(key)
    t = jax.random.randint(k1, (BATCH,), 0, VOCAB, dtype=jnp.int64 if jax.config.jax_enable_x64 else jnp.int32)
    # nn.Embedding default init: N(0, 1)
    table = jax.random.normal(k2, (VOCAB, DIM), dtype=jnp.float32)
    return {"t": t, "table": table}

def reference(t, table):
    # equivalent of nn.Embedding lookup: table[t]
    return jnp.take(table, t, axis=0)

if __name__ == "__main__":
    import jax
    _d = setup_inputs()
    print(jax.jit(kernel)(*tuple(_d.values())))

</pallas_src>

<mosaic_0001>
#map = affine_map<(d0, d1) -> (0)>
#map1 = affine_map<(d0, d1) -> (0, 0)>
module attributes {stable_mosaic.version = 14 : i64} {
  func.func @_embed_kernel(%arg0: i32, %arg1: i32, %arg2: memref<16384xi32, #tpu.memory_space<hbm>>, %arg3: memref<300x128xf32, #tpu.memory_space<hbm>>, %arg4: memref<16384x128xf32, #tpu.memory_space<hbm>>, %arg5: memref<300x128xf32, #tpu.memory_space<vmem_shared>>, %arg6: memref<16x64x128xf32, #tpu.memory_space<vmem_shared>>, %arg7: memref<512xi32, #tpu.memory_space<vmem>>, %arg8: memref<!tpu.dma_semaphore, #tpu.memory_space<semaphore_mem>>, %arg9: memref<!tpu.dma_semaphore, #tpu.memory_space<semaphore_mem>>, %arg10: memref<64x128xf32, #tpu.memory_space<vmem>>, %arg11: memref<64x128xf32, #tpu.memory_space<vmem>>, %arg12: memref<64x128xf32, #tpu.memory_space<vmem>>, %arg13: memref<64x128xf32, #tpu.memory_space<vmem>>, %arg14: memref<64x128xf32, #tpu.memory_space<vmem>>, %arg15: memref<64x128xf32, #tpu.memory_space<vmem>>, %arg16: memref<64x128xf32, #tpu.memory_space<vmem>>, %arg17: memref<64x128xf32, #tpu.memory_space<vmem>>, %arg18: memref<!tpu.dma_semaphore, #tpu.memory_space<semaphore_mem>>, %arg19: memref<!tpu.dma_semaphore, #tpu.memory_space<semaphore_mem>>, %arg20: memref<!tpu.dma_semaphore, #tpu.memory_space<semaphore_mem>>, %arg21: memref<!tpu.dma_semaphore, #tpu.memory_space<semaphore_mem>>, %arg22: memref<!tpu.dma_semaphore, #tpu.memory_space<semaphore_mem>>, %arg23: memref<!tpu.dma_semaphore, #tpu.memory_space<semaphore_mem>>, %arg24: memref<!tpu.dma_semaphore, #tpu.memory_space<semaphore_mem>>, %arg25: memref<!tpu.dma_semaphore, #tpu.memory_space<semaphore_mem>>, %arg26: memref<!tpu.dma_semaphore, #tpu.memory_space<semaphore_mem>>, %arg27: memref<!tpu.dma_semaphore, #tpu.memory_space<semaphore_mem>>, %arg28: memref<!tpu.dma_semaphore, #tpu.memory_space<semaphore_mem>>, %arg29: memref<!tpu.dma_semaphore, #tpu.memory_space<semaphore_mem>>, %arg30: memref<!tpu.dma_semaphore, #tpu.memory_space<semaphore_mem>>, %arg31: memref<!tpu.dma_semaphore, #tpu.memory_space<semaphore_mem>>, %arg32: memref<!tpu.dma_semaphore, #tpu.memory_space<semaphore_mem>>, %arg33: memref<!tpu.dma_semaphore, #tpu.memory_space<semaphore_mem>>) attributes {dimension_semantics = [#tpu.dimension_semantics<core_parallel>, #tpu.dimension_semantics<subcore_parallel>], iteration_bounds = array<i64: 2, 16>, scalar_prefetch = 0 : i64, scratch_operands = 29 : i64, tpu.core_type = #tpu.core_type<sc_vector_subcore>, window_params = [{transform_indices = #map}, {transform_indices = #map1}, {transform_indices = #map1}]} {
    %mul3A = arith.constant 2 : i32
    %mul3A_0 = arith.muli %arg1, %mul3A : i32
    %add3A = arith.addi %mul3A_0, %arg0 : i32
    %mul3A_1 = arith.constant 512 : i32
    %mul3A_2 = arith.muli %add3A, %mul3A_1 : i32
    %dma_start3A = tpu.memref_slice %arg2[%mul3A_2] : memref<16384xi32, #tpu.memory_space<hbm>> -> memref<512xi32, #tpu.memory_space<hbm>>
    %dma_start3A_3 = tpu.memref_slice %arg2[%mul3A_2] : memref<16384xi32, #tpu.memory_space<hbm>> -> memref<512xi32, #tpu.memory_space<hbm>>
    tpu.enqueue_dma source(%dma_start3A_3 : memref<512xi32, #tpu.memory_space<hbm>>) target(%arg7 : memref<512xi32, #tpu.memory_space<vmem>>) target_semaphore(%arg8 : memref<!tpu.dma_semaphore, #tpu.memory_space<semaphore_mem>>)
    %lt3A = arith.constant 12 : i32
    %lt3A_4 = arith.cmpi slt, %arg1, %lt3A : i32
    %convert_element_type3A = arith.extui %lt3A_4 : i1 to i32
    %cond3A = arith.constant 0 : i32
    %cond3A_5 = arith.cmpi ne, %convert_element_type3A, %cond3A : i32
    scf.if %cond3A_5 {
      %mul3A_189 = arith.constant 24 : i32
      %mul3A_190 = arith.muli %arg1, %mul3A_189 : i32
      %mul3A_191 = arith.constant 24 : i32
      %mul3A_192 = arith.muli %arg1, %mul3A_191 : i32
      "tpu.region"() ({
        %run_scoped3A = tpu.sem_alloc : memref<!tpu.dma_semaphore, #tpu.memory_space<semaphore_mem>>
        %dma_start3A_193 = arith.constant 0 : i32
        %dma_start3A_194 = tpu.memref_slice %arg5[%mul3A_192, %dma_start3A_193] : memref<300x128xf32, #tpu.memory_space<vmem_shared>> -> memref<24x128xf32, #tpu.memory_space<vmem_shared>>
        %dma_start3A_195 = arith.constant 0 : i32
        %dma_start3A_196 = tpu.memref_slice %arg3[%mul3A_190, %dma_start3A_195] : memref<300x128xf32, #tpu.memory_space<hbm>> -> memref<24x128xf32, #tpu.memory_space<hbm>>
        tpu.enqueue_dma source(%dma_start3A_196 : memref<24x128xf32, #tpu.memory_space<hbm>>) target(%dma_start3A_194 : memref<24x128xf32, #tpu.memory_space<vmem_shared>>) target_semaphore(%run_scoped3A : memref<!tpu.dma_semaphore, #tpu.memory_space<semaphore_mem>>)
        %dma_wait3A_197 = arith.constant 0 : i32
        %dma_wait3A_198 = tpu.memref_slice %arg5[%mul3A_192, %dma_wait3A_197] : memref<300x128xf32, #tpu.memory_space<vmem_shared>> -> memref<24x128xf32, #tpu.memory_space<vmem_shared>>
        %dma_wait3A_199 = arith.constant 0 : i32
        %dma_wait3A_200 = tpu.memref_slice %arg3[%mul3A_190, %dma_wait3A_199] : memref<300x128xf32, #tpu.memory_space<hbm>> -> memref<24x128xf32, #tpu.memory_space<hbm>>
        tpu.wait_dma2 semaphore(%run_scoped3A : memref<!tpu.dma_semaphore, #tpu.memory_space<semaphore_mem>>) src(%dma_wait3A_200 : memref<24x128xf32, #tpu.memory_space<hbm>>) dst(%dma_wait3A_198 : memref<24x128xf32, #tpu.memory_space<vmem_shared>>)
        tpu.yield
      }) : () -> ()
    } else {
    }
    %eq3A = arith.constant 12 : i32
    %eq3A_6 = arith.cmpi eq, %arg1, %eq3A : i32
    %convert_element_type3A_7 = arith.extui %eq3A_6 : i1 to i32
    %cond3A_8 = arith.constant 0 : i32
    %cond3A_9 = arith.cmpi ne, %convert_element_type3A_7, %cond3A_8 : i32
    scf.if %cond3A_9 {
      "tpu.region"() ({
        %run_scoped3A = tpu.sem_alloc : memref<!tpu.dma_semaphore, #tpu.memory_space<semaphore_mem>>
        %dma_start3A_189 = arith.constant 288 : i32
        %dma_start3A_190 = arith.constant 0 : i32
        %dma_start3A_191 = tpu.memref_slice %arg5[%dma_start3A_189, %dma_start3A_190] : memref<300x128xf32, #tpu.memory_space<vmem_shared>> -> memref<12x128xf32, #tpu.memory_space<vmem_shared>>
        %dma_start3A_192 = arith.constant 288 : i32
        %dma_start3A_193 = arith.constant 0 : i32
        %dma_start3A_194 = tpu.memref_slice %arg3[%dma_start3A_192, %dma_start3A_193] : memref<300x128xf32, #tpu.memory_space<hbm>> -> memref<12x128xf32, #tpu.memory_space<hbm>>
        tpu.enqueue_dma source(%dma_start3A_194 : memref<12x128xf32, #tpu.memory_space<hbm>>) target(%dma_start3A_191 : memref<12x128xf32, #tpu.memory_space<vmem_shared>>) target_semaphore(%run_scoped3A : memref<!tpu.dma_semaphore, #tpu.memory_space<semaphore_mem>>)
        %dma_wait3A_195 = arith.constant 288 : i32
        %dma_wait3A_196 = arith.constant 0 : i32
        %dma_wait3A_197 = tpu.memref_slice %arg5[%dma_wait3A_195, %dma_wait3A_196] : memref<300x128xf32, #tpu.memory_space<vmem_shared>> -> memref<12x128xf32, #tpu.memory_space<vmem_shared>>
        %dma_wait3A_198 = arith.constant 288 : i32
        %dma_wait3A_199 = arith.constant 0 : i32
        %dma_wait3A_200 = tpu.memref_slice %arg3[%dma_wait3A_198, %dma_wait3A_199] : memref<300x128xf32, #tpu.memory_space<hbm>> -> memref<12x128xf32, #tpu.memory_space<hbm>>
        tpu.wait_dma2 semaphore(%run_scoped3A : memref<!tpu.dma_semaphore, #tpu.memory_space<semaphore_mem>>) src(%dma_wait3A_200 : memref<12x128xf32, #tpu.memory_space<hbm>>) dst(%dma_wait3A_197 : memref<12x128xf32, #tpu.memory_space<vmem_shared>>)
        tpu.yield
      }) : () -> ()
    } else {
    }
    %barrier3A = arith.constant 0 : index
    tpu.barrier barrier_id(%barrier3A)
    %dma_wait3A = tpu.memref_slice %arg2[%mul3A_2] : memref<16384xi32, #tpu.memory_space<hbm>> -> memref<512xi32, #tpu.memory_space<hbm>>
    %dma_wait3A_10 = tpu.memref_slice %arg2[%mul3A_2] : memref<16384xi32, #tpu.memory_space<hbm>> -> memref<512xi32, #tpu.memory_space<hbm>>
    tpu.wait_dma2 semaphore(%arg8 : memref<!tpu.dma_semaphore, #tpu.memory_space<semaphore_mem>>) src(%dma_wait3A_10 : memref<512xi32, #tpu.memory_space<hbm>>) dst(%arg7 : memref<512xi32, #tpu.memory_space<vmem>>)
    %dma_start3A_11 = arith.constant 0 : i32
    %dma_start3A_12 = tpu.memref_slice %arg7[%dma_start3A_11] : memref<512xi32, #tpu.memory_space<vmem>> -> memref<64xi32, #tpu.memory_space<vmem>>
    %dma_start3A_13 = arith.constant 0 : i32
    %dma_start3A_14 = arith.constant 0 : i32
    %dma_start3A_15 = tpu.memref_slice %arg5[%dma_start3A_13, %dma_start3A_14] : memref<300x128xf32, #tpu.memory_space<vmem_shared>> -> memref<300x128xf32, #tpu.memory_space<vmem_shared>>
    tpu.enqueue_indirect_dma source(%dma_start3A_15 : memref<300x128xf32, #tpu.memory_space<vmem_shared>>) target(%arg10 : memref<64x128xf32, #tpu.memory_space<vmem>>) offsets(%dma_start3A_12 : memref<64xi32, #tpu.memory_space<vmem>>) semaphore(%arg18 : memref<!tpu.dma_semaphore, #tpu.memory_space<semaphore_mem>>)
    %dma_start3A_16 = arith.constant 64 : i32
    %dma_start3A_17 = tpu.memref_slice %arg7[%dma_start3A_16] : memref<512xi32, #tpu.memory_space<vmem>> -> memref<64xi32, #tpu.memory_space<vmem>>
    %dma_start3A_18 = arith.constant 0 : i32
    %dma_start3A_19 = arith.constant 0 : i32
    %dma_start3A_20 = tpu.memref_slice %arg5[%dma_start3A_18, %dma_start3A_19] : memref<300x128xf32, #tpu.memory_space<vmem_shared>> -> memref<300x128xf32, #tpu.memory_space<vmem_shared>>
    tpu.enqueue_indirect_dma source(%dma_start3A_20 : memref<300x128xf32, #tpu.memory_space<vmem_shared>>) target(%arg11 : memref<64x128xf32, #tpu.memory_space<vmem>>) offsets(%dma_start3A_17 : memref<64xi32, #tpu.memory_space<vmem>>) semaphore(%arg19 : memref<!tpu.dma_semaphore, #tpu.memory_space<semaphore_mem>>)
    %dma_start3A_21 = arith.constant 128 : i32
    %dma_start3A_22 = tpu.memref_slice %arg7[%dma_start3A_21] : memref<512xi32, #tpu.memory_space<vmem>> -> memref<64xi32, #tpu.memory_space<vmem>>
    %dma_start3A_23 = arith.constant 0 : i32
    %dma_start3A_24 = arith.constant 0 : i32
    %dma_start3A_25 = tpu.memref_slice %arg5[%dma_start3A_23, %dma_start3A_24] : memref<300x128xf32, #tpu.memory_space<vmem_shared>> -> memref<300x128xf32, #tpu.memory_space<vmem_shared>>
    tpu.enqueue_indirect_dma source(%dma_start3A_25 : memref<300x128xf32, #tpu.memory_space<vmem_shared>>) target(%arg12 : memref<64x128xf32, #tpu.memory_space<vmem>>) offsets(%dma_start3A_22 : memref<64xi32, #tpu.memory_space<vmem>>) semaphore(%arg20 : memref<!tpu.dma_semaphore, #tpu.memory_space<semaphore_mem>>)
    %dma_start3A_26 = arith.constant 192 : i32
    %dma_start3A_27 = tpu.memref_slice %arg7[%dma_start3A_26] : memref<512xi32, #tpu.memory_space<vmem>> -> memref<64xi32, #tpu.memory_space<vmem>>
    %dma_start3A_28 = arith.constant 0 : i32
    %dma_start3A_29 = arith.constant 0 : i32
    %dma_start3A_30 = tpu.memref_slice %arg5[%dma_start3A_28, %dma_start3A_29] : memref<300x128xf32, #tpu.memory_space<vmem_shared>> -> memref<300x128xf32, #tpu.memory_space<vmem_shared>>
    tpu.enqueue_indirect_dma source(%dma_start3A_30 : memref<300x128xf32, #tpu.memory_space<vmem_shared>>) target(%arg13 : memref<64x128xf32, #tpu.memory_space<vmem>>) offsets(%dma_start3A_27 : memref<64xi32, #tpu.memory_space<vmem>>) semaphore(%arg21 : memref<!tpu.dma_semaphore, #tpu.memory_space<semaphore_mem>>)
    %dma_start3A_31 = arith.constant 256 : i32
    %dma_start3A_32 = tpu.memref_slice %arg7[%dma_start3A_31] : memref<512xi32, #tpu.memory_space<vmem>> -> memref<64xi32, #tpu.memory_space<vmem>>
    %dma_start3A_33 = arith.constant 0 : i32
    %dma_start3A_34 = arith.constant 0 : i32
    %dma_start3A_35 = tpu.memref_slice %arg5[%dma_start3A_33, %dma_start3A_34] : memref<300x128xf32, #tpu.memory_space<vmem_shared>> -> memref<300x128xf32, #tpu.memory_space<vmem_shared>>
    tpu.enqueue_indirect_dma source(%dma_start3A_35 : memref<300x128xf32, #tpu.memory_space<vmem_shared>>) target(%arg14 : memref<64x128xf32, #tpu.memory_space<vmem>>) offsets(%dma_start3A_32 : memref<64xi32, #tpu.memory_space<vmem>>) semaphore(%arg22 : memref<!tpu.dma_semaphore, #tpu.memory_space<semaphore_mem>>)
    %dma_start3A_36 = arith.constant 320 : i32
    %dma_start3A_37 = tpu.memref_slice %arg7[%dma_start3A_36] : memref<512xi32, #tpu.memory_space<vmem>> -> memref<64xi32, #tpu.memory_space<vmem>>
    %dma_start3A_38 = arith.constant 0 : i32
    %dma_start3A_39 = arith.constant 0 : i32
    %dma_start3A_40 = tpu.memref_slice %arg5[%dma_start3A_38, %dma_start3A_39] : memref<300x128xf32, #tpu.memory_space<vmem_shared>> -> memref<300x128xf32, #tpu.memory_space<vmem_shared>>
    tpu.enqueue_indirect_dma source(%dma_start3A_40 : memref<300x128xf32, #tpu.memory_space<vmem_shared>>) target(%arg15 : memref<64x128xf32, #tpu.memory_space<vmem>>) offsets(%dma_start3A_37 : memref<64xi32, #tpu.memory_space<vmem>>) semaphore(%arg23 : memref<!tpu.dma_semaphore, #tpu.memory_space<semaphore_mem>>)
    %dma_start3A_41 = arith.constant 384 : i32
    %dma_start3A_42 = tpu.memref_slice %arg7[%dma_start3A_41] : memref<512xi32, #tpu.memory_space<vmem>> -> memref<64xi32, #tpu.memory_space<vmem>>
    %dma_start3A_43 = arith.constant 0 : i32
    %dma_start3A_44 = arith.constant 0 : i32
    %dma_start3A_45 = tpu.memref_slice %arg5[%dma_start3A_43, %dma_start3A_44] : memref<300x128xf32, #tpu.memory_space<vmem_shared>> -> memref<300x128xf32, #tpu.memory_space<vmem_shared>>
    tpu.enqueue_indirect_dma source(%dma_start3A_45 : memref<300x128xf32, #tpu.memory_space<vmem_shared>>) target(%arg16 : memref<64x128xf32, #tpu.memory_space<vmem>>) offsets(%dma_start3A_42 : memref<64xi32, #tpu.memory_space<vmem>>) semaphore(%arg24 : memref<!tpu.dma_semaphore, #tpu.memory_space<semaphore_mem>>)
    %dma_start3A_46 = arith.constant 448 : i32
    %dma_start3A_47 = tpu.memref_slice %arg7[%dma_start3A_46] : memref<512xi32, #tpu.memory_space<vmem>> -> memref<64xi32, #tpu.memory_space<vmem>>
    %dma_start3A_48 = arith.constant 0 : i32
    %dma_start3A_49 = arith.constant 0 : i32
    %dma_start3A_50 = tpu.memref_slice %arg5[%dma_start3A_48, %dma_start3A_49] : memref<300x128xf32, #tpu.memory_space<vmem_shared>> -> memref<300x128xf32, #tpu.memory_space<vmem_shared>>
    tpu.enqueue_indirect_dma source(%dma_start3A_50 : memref<300x128xf32, #tpu.memory_space<vmem_shared>>) target(%arg17 : memref<64x128xf32, #tpu.memory_space<vmem>>) offsets(%dma_start3A_47 : memref<64xi32, #tpu.memory_space<vmem>>) semaphore(%arg25 : memref<!tpu.dma_semaphore, #tpu.memory_space<semaphore_mem>>)
    %dma_wait3A_51 = arith.constant 0 : i32
    %dma_wait3A_52 = tpu.memref_slice %arg7[%dma_wait3A_51] : memref<512xi32, #tpu.memory_space<vmem>> -> memref<64xi32, #tpu.memory_space<vmem>>
    %dma_wait3A_53 = arith.constant 0 : i32
    %dma_wait3A_54 = arith.constant 0 : i32
    %dma_wait3A_55 = tpu.memref_slice %arg5[%dma_wait3A_53, %dma_wait3A_54] : memref<300x128xf32, #tpu.memory_space<vmem_shared>> -> memref<300x128xf32, #tpu.memory_space<vmem_shared>>
    tpu.wait_indirect_dma semaphore(%arg18 : memref<!tpu.dma_semaphore, #tpu.memory_space<semaphore_mem>>) src(%dma_wait3A_55 : memref<300x128xf32, #tpu.memory_space<vmem_shared>>) dst(%arg10 : memref<64x128xf32, #tpu.memory_space<vmem>>)
    %dma_start3A_56 = arith.constant 0 : i32
    %dma_start3A_57 = arith.constant 0 : i32
    %dma_start3A_58 = tpu.memref_slice %arg6[%arg1, %dma_start3A_56, %dma_start3A_57] : memref<16x64x128xf32, #tpu.memory_space<vmem_shared>> -> memref<1x64x128xf32, #tpu.memory_space<vmem_shared>>
    %dma_start3A_59 = tpu.memref_squeeze %dma_start3A_58 : memref<1x64x128xf32, #tpu.memory_space<vmem_shared>> -> memref<64x128xf32, #tpu.memory_space<vmem_shared>>
    %dma_start3A_60 = arith.constant 0 : i32
    %dma_start3A_61 = arith.constant 0 : i32
    %dma_start3A_62 = tpu.memref_slice %arg6[%arg1, %dma_start3A_60, %dma_start3A_61] : memref<16x64x128xf32, #tpu.memory_space<vmem_shared>> -> memref<1x64x128xf32, #tpu.memory_space<vmem_shared>>
    %dma_start3A_63 = tpu.memref_squeeze %dma_start3A_62 : memref<1x64x128xf32, #tpu.memory_space<vmem_shared>> -> memref<64x128xf32, #tpu.memory_space<vmem_shared>>
    tpu.enqueue_dma source(%arg10 : memref<64x128xf32, #tpu.memory_space<vmem>>) target(%dma_start3A_63 : memref<64x128xf32, #tpu.memory_space<vmem_shared>>) target_semaphore(%arg9 : memref<!tpu.dma_semaphore, #tpu.memory_space<semaphore_mem>>)
    %dma_wait3A_64 = arith.constant 64 : i32
    %dma_wait3A_65 = tpu.memref_slice %arg7[%dma_wait3A_64] : memref<512xi32, #tpu.memory_space<vmem>> -> memref<64xi32, #tpu.memory_space<vmem>>
    %dma_wait3A_66 = arith.constant 0 : i32
    %dma_wait3A_67 = arith.constant 0 : i32
    %dma_wait3A_68 = tpu.memref_slice %arg5[%dma_wait3A_66, %dma_wait3A_67] : memref<300x128xf32, #tpu.memory_space<vmem_shared>> -> memref<300x128xf32, #tpu.memory_space<vmem_shared>>
    tpu.wait_indirect_dma semaphore(%arg19 : memref<!tpu.dma_semaphore, #tpu.memory_space<semaphore_mem>>) src(%dma_wait3A_68 : memref<300x128xf32, #tpu.memory_space<vmem_shared>>) dst(%arg11 : memref<64x128xf32, #tpu.memory_space<vmem>>)
    %add3A_69 = arith.constant 64 : i32
    %add3A_70 = arith.addi %mul3A_2, %add3A_69 : i32
    %dma_start3A_71 = arith.constant 0 : i32
    %dma_start3A_72 = tpu.memref_slice %arg4[%add3A_70, %dma_start3A_71] : memref<16384x128xf32, #tpu.memory_space<hbm>> -> memref<64x128xf32, #tpu.memory_space<hbm>>
    %dma_start3A_73 = arith.constant 0 : i32
    %dma_start3A_74 = tpu.memref_slice %arg4[%add3A_70, %dma_start3A_73] : memref<16384x128xf32, #tpu.memory_space<hbm>> -> memref<64x128xf32, #tpu.memory_space<hbm>>
    tpu.enqueue_dma source(%arg11 : memref<64x128xf32, #tpu.memory_space<vmem>>) target(%dma_start3A_74 : memref<64x128xf32, #tpu.memory_space<hbm>>) target_semaphore(%arg27 : memref<!tpu.dma_semaphore, #tpu.memory_space<semaphore_mem>>)
    %dma_wait3A_75 = arith.constant 128 : i32
    %dma_wait3A_76 = tpu.memref_slice %arg7[%dma_wait3A_75] : memref<512xi32, #tpu.memory_space<vmem>> -> memref<64xi32, #tpu.memory_space<vmem>>
    %dma_wait3A_77 = arith.constant 0 : i32
    %dma_wait3A_78 = arith.constant 0 : i32
    %dma_wait3A_79 = tpu.memref_slice %arg5[%dma_wait3A_77, %dma_wait3A_78] : memref<300x128xf32, #tpu.memory_space<vmem_shared>> -> memref<300x128xf32, #tpu.memory_space<vmem_shared>>
    tpu.wait_indirect_dma semaphore(%arg20 : memref<!tpu.dma_semaphore, #tpu.memory_space<semaphore_mem>>) src(%dma_wait3A_79 : memref<300x128xf32, #tpu.memory_space<vmem_shared>>) dst(%arg12 : memref<64x128xf32, #tpu.memory_space<vmem>>)
    %add3A_80 = arith.constant 128 : i32
    %add3A_81 = arith.addi %mul3A_2, %add3A_80 : i32
    %dma_start3A_82 = arith.constant 0 : i32
    %dma_start3A_83 = tpu.memref_slice %arg4[%add3A_81, %dma_start3A_82] : memref<16384x128xf32, #tpu.memory_space<hbm>> -> memref<64x128xf32, #tpu.memory_space<hbm>>
    %dma_start3A_84 = arith.constant 0 : i32
    %dma_start3A_85 = tpu.memref_slice %arg4[%add3A_81, %dma_start3A_84] : memref<16384x128xf32, #tpu.memory_space<hbm>> -> memref<64x128xf32, #tpu.memory_space<hbm>>
    tpu.enqueue_dma source(%arg12 : memref<64x128xf32, #tpu.memory_space<vmem>>) target(%dma_start3A_85 : memref<64x128xf32, #tpu.memory_space<hbm>>) target_semaphore(%arg28 : memref<!tpu.dma_semaphore, #tpu.memory_space<semaphore_mem>>)
    %dma_wait3A_86 = arith.constant 192 : i32
    %dma_wait3A_87 = tpu.memref_slice %arg7[%dma_wait3A_86] : memref<512xi32, #tpu.memory_space<vmem>> -> memref<64xi32, #tpu.memory_space<vmem>>
    %dma_wait3A_88 = arith.constant 0 : i32
    %dma_wait3A_89 = arith.constant 0 : i32
    %dma_wait3A_90 = tpu.memref_slice %arg5[%dma_wait3A_88, %dma_wait3A_89] : memref<300x128xf32, #tpu.memory_space<vmem_shared>> -> memref<300x128xf32, #tpu.memory_space<vmem_shared>>
    tpu.wait_indirect_dma semaphore(%arg21 : memref<!tpu.dma_semaphore, #tpu.memory_space<semaphore_mem>>) src(%dma_wait3A_90 : memref<300x128xf32, #tpu.memory_space<vmem_shared>>) dst(%arg13 : memref<64x128xf32, #tpu.memory_space<vmem>>)
    %add3A_91 = arith.constant 192 : i32
    %add3A_92 = arith.addi %mul3A_2, %add3A_91 : i32
    %dma_start3A_93 = arith.constant 0 : i32
    %dma_start3A_94 = tpu.memref_slice %arg4[%add3A_92, %dma_start3A_93] : memref<16384x128xf32, #tpu.memory_space<hbm>> -> memref<64x128xf32, #tpu.memory_space<hbm>>
    %dma_start3A_95 = arith.constant 0 : i32
    %dma_start3A_96 = tpu.memref_slice %arg4[%add3A_92, %dma_start3A_95] : memref<16384x128xf32, #tpu.memory_space<hbm>> -> memref<64x128xf32, #tpu.memory_space<hbm>>
    tpu.enqueue_dma source(%arg13 : memref<64x128xf32, #tpu.memory_space<vmem>>) target(%dma_start3A_96 : memref<64x128xf32, #tpu.memory_space<hbm>>) target_semaphore(%arg29 : memref<!tpu.dma_semaphore, #tpu.memory_space<semaphore_mem>>)
    %dma_wait3A_97 = arith.constant 256 : i32
    %dma_wait3A_98 = tpu.memref_slice %arg7[%dma_wait3A_97] : memref<512xi32, #tpu.memory_space<vmem>> -> memref<64xi32, #tpu.memory_space<vmem>>
    %dma_wait3A_99 = arith.constant 0 : i32
    %dma_wait3A_100 = arith.constant 0 : i32
    %dma_wait3A_101 = tpu.memref_slice %arg5[%dma_wait3A_99, %dma_wait3A_100] : memref<300x128xf32, #tpu.memory_space<vmem_shared>> -> memref<300x128xf32, #tpu.memory_space<vmem_shared>>
    tpu.wait_indirect_dma semaphore(%arg22 : memref<!tpu.dma_semaphore, #tpu.memory_space<semaphore_mem>>) src(%dma_wait3A_101 : memref<300x128xf32, #tpu.memory_space<vmem_shared>>) dst(%arg14 : memref<64x128xf32, #tpu.memory_space<vmem>>)
    %add3A_102 = arith.constant 256 : i32
    %add3A_103 = arith.addi %mul3A_2, %add3A_102 : i32
    %dma_start3A_104 = arith.constant 0 : i32
    %dma_start3A_105 = tpu.memref_slice %arg4[%add3A_103, %dma_start3A_104] : memref<16384x128xf32, #tpu.memory_space<hbm>> -> memref<64x128xf32, #tpu.memory_space<hbm>>
    %dma_start3A_106 = arith.constant 0 : i32
    %dma_start3A_107 = tpu.memref_slice %arg4[%add3A_103, %dma_start3A_106] : memref<16384x128xf32, #tpu.memory_space<hbm>> -> memref<64x128xf32, #tpu.memory_space<hbm>>
    tpu.enqueue_dma source(%arg14 : memref<64x128xf32, #tpu.memory_space<vmem>>) target(%dma_start3A_107 : memref<64x128xf32, #tpu.memory_space<hbm>>) target_semaphore(%arg30 : memref<!tpu.dma_semaphore, #tpu.memory_space<semaphore_mem>>)
    %dma_wait3A_108 = arith.constant 320 : i32
    %dma_wait3A_109 = tpu.memref_slice %arg7[%dma_wait3A_108] : memref<512xi32, #tpu.memory_space<vmem>> -> memref<64xi32, #tpu.memory_space<vmem>>
    %dma_wait3A_110 = arith.constant 0 : i32
    %dma_wait3A_111 = arith.constant 0 : i32
    %dma_wait3A_112 = tpu.memref_slice %arg5[%dma_wait3A_110, %dma_wait3A_111] : memref<300x128xf32, #tpu.memory_space<vmem_shared>> -> memref<300x128xf32, #tpu.memory_space<vmem_shared>>
    tpu.wait_indirect_dma semaphore(%arg23 : memref<!tpu.dma_semaphore, #tpu.memory_space<semaphore_mem>>) src(%dma_wait3A_112 : memref<300x128xf32, #tpu.memory_space<vmem_shared>>) dst(%arg15 : memref<64x128xf32, #tpu.memory_space<vmem>>)
    %add3A_113 = arith.constant 320 : i32
    %add3A_114 = arith.addi %mul3A_2, %add3A_113 : i32
    %dma_start3A_115 = arith.constant 0 : i32
    %dma_start3A_116 = tpu.memref_slice %arg4[%add3A_114, %dma_start3A_115] : memref<16384x128xf32, #tpu.memory_space<hbm>> -> memref<64x128xf32, #tpu.memory_space<hbm>>
    %dma_start3A_117 = arith.constant 0 : i32
    %dma_start3A_118 = tpu.memref_slice %arg4[%add3A_114, %dma_start3A_117] : memref<16384x128xf32, #tpu.memory_space<hbm>> -> memref<64x128xf32, #tpu.memory_space<hbm>>
    tpu.enqueue_dma source(%arg15 : memref<64x128xf32, #tpu.memory_space<vmem>>) target(%dma_start3A_118 : memref<64x128xf32, #tpu.memory_space<hbm>>) target_semaphore(%arg31 : memref<!tpu.dma_semaphore, #tpu.memory_space<semaphore_mem>>)
    %dma_wait3A_119 = arith.constant 384 : i32
    %dma_wait3A_120 = tpu.memref_slice %arg7[%dma_wait3A_119] : memref<512xi32, #tpu.memory_space<vmem>> -> memref<64xi32, #tpu.memory_space<vmem>>
    %dma_wait3A_121 = arith.constant 0 : i32
    %dma_wait3A_122 = arith.constant 0 : i32
    %dma_wait3A_123 = tpu.memref_slice %arg5[%dma_wait3A_121, %dma_wait3A_122] : memref<300x128xf32, #tpu.memory_space<vmem_shared>> -> memref<300x128xf32, #tpu.memory_space<vmem_shared>>
    tpu.wait_indirect_dma semaphore(%arg24 : memref<!tpu.dma_semaphore, #tpu.memory_space<semaphore_mem>>) src(%dma_wait3A_123 : memref<300x128xf32, #tpu.memory_space<vmem_shared>>) dst(%arg16 : memref<64x128xf32, #tpu.memory_space<vmem>>)
    %add3A_124 = arith.constant 384 : i32
    %add3A_125 = arith.addi %mul3A_2, %add3A_124 : i32
    %dma_start3A_126 = arith.constant 0 : i32
    %dma_start3A_127 = tpu.memref_slice %arg4[%add3A_125, %dma_start3A_126] : memref<16384x128xf32, #tpu.memory_space<hbm>> -> memref<64x128xf32, #tpu.memory_space<hbm>>
    %dma_start3A_128 = arith.constant 0 : i32
    %dma_start3A_129 = tpu.memref_slice %arg4[%add3A_125, %dma_start3A_128] : memref<16384x128xf32, #tpu.memory_space<hbm>> -> memref<64x128xf32, #tpu.memory_space<hbm>>
    tpu.enqueue_dma source(%arg16 : memref<64x128xf32, #tpu.memory_space<vmem>>) target(%dma_start3A_129 : memref<64x128xf32, #tpu.memory_space<hbm>>) target_semaphore(%arg32 : memref<!tpu.dma_semaphore, #tpu.memory_space<semaphore_mem>>)
    %dma_wait3A_130 = arith.constant 448 : i32
    %dma_wait3A_131 = tpu.memref_slice %arg7[%dma_wait3A_130] : memref<512xi32, #tpu.memory_space<vmem>> -> memref<64xi32, #tpu.memory_space<vmem>>
    %dma_wait3A_132 = arith.constant 0 : i32
    %dma_wait3A_133 = arith.constant 0 : i32
    %dma_wait3A_134 = tpu.memref_slice %arg5[%dma_wait3A_132, %dma_wait3A_133] : memref<300x128xf32, #tpu.memory_space<vmem_shared>> -> memref<300x128xf32, #tpu.memory_space<vmem_shared>>
    tpu.wait_indirect_dma semaphore(%arg25 : memref<!tpu.dma_semaphore, #tpu.memory_space<semaphore_mem>>) src(%dma_wait3A_134 : memref<300x128xf32, #tpu.memory_space<vmem_shared>>) dst(%arg17 : memref<64x128xf32, #tpu.memory_space<vmem>>)
    %add3A_135 = arith.constant 448 : i32
    %add3A_136 = arith.addi %mul3A_2, %add3A_135 : i32
    %dma_start3A_137 = arith.constant 0 : i32
    %dma_start3A_138 = tpu.memref_slice %arg4[%add3A_136, %dma_start3A_137] : memref<16384x128xf32, #tpu.memory_space<hbm>> -> memref<64x128xf32, #tpu.memory_space<hbm>>
    %dma_start3A_139 = arith.constant 0 : i32
    %dma_start3A_140 = tpu.memref_slice %arg4[%add3A_136, %dma_start3A_139] : memref<16384x128xf32, #tpu.memory_space<hbm>> -> memref<64x128xf32, #tpu.memory_space<hbm>>
    tpu.enqueue_dma source(%arg17 : memref<64x128xf32, #tpu.memory_space<vmem>>) target(%dma_start3A_140 : memref<64x128xf32, #tpu.memory_space<hbm>>) target_semaphore(%arg33 : memref<!tpu.dma_semaphore, #tpu.memory_space<semaphore_mem>>)
    %dma_wait3A_141 = arith.constant 0 : i32
    %dma_wait3A_142 = arith.constant 0 : i32
    %dma_wait3A_143 = tpu.memref_slice %arg6[%arg1, %dma_wait3A_141, %dma_wait3A_142] : memref<16x64x128xf32, #tpu.memory_space<vmem_shared>> -> memref<1x64x128xf32, #tpu.memory_space<vmem_shared>>
    %dma_wait3A_144 = tpu.memref_squeeze %dma_wait3A_143 : memref<1x64x128xf32, #tpu.memory_space<vmem_shared>> -> memref<64x128xf32, #tpu.memory_space<vmem_shared>>
    %dma_wait3A_145 = arith.constant 0 : i32
    %dma_wait3A_146 = arith.constant 0 : i32
    %dma_wait3A_147 = tpu.memref_slice %arg6[%arg1, %dma_wait3A_145, %dma_wait3A_146] : memref<16x64x128xf32, #tpu.memory_space<vmem_shared>> -> memref<1x64x128xf32, #tpu.memory_space<vmem_shared>>
    %dma_wait3A_148 = tpu.memref_squeeze %dma_wait3A_147 : memref<1x64x128xf32, #tpu.memory_space<vmem_shared>> -> memref<64x128xf32, #tpu.memory_space<vmem_shared>>
    tpu.wait_dma2 semaphore(%arg9 : memref<!tpu.dma_semaphore, #tpu.memory_space<semaphore_mem>>) src(%arg10 : memref<64x128xf32, #tpu.memory_space<vmem>>) dst(%dma_wait3A_148 : memref<64x128xf32, #tpu.memory_space<vmem_shared>>)
    %dma_start3A_149 = arith.constant 0 : i32
    %dma_start3A_150 = tpu.memref_slice %arg4[%mul3A_2, %dma_start3A_149] : memref<16384x128xf32, #tpu.memory_space<hbm>> -> memref<64x128xf32, #tpu.memory_space<hbm>>
    %dma_start3A_151 = arith.constant 0 : i32
    %dma_start3A_152 = arith.constant 0 : i32
    %dma_start3A_153 = tpu.memref_slice %arg6[%arg1, %dma_start3A_151, %dma_start3A_152] : memref<16x64x128xf32, #tpu.memory_space<vmem_shared>> -> memref<1x64x128xf32, #tpu.memory_space<vmem_shared>>
    %dma_start3A_154 = tpu.memref_squeeze %dma_start3A_153 : memref<1x64x128xf32, #tpu.memory_space<vmem_shared>> -> memref<64x128xf32, #tpu.memory_space<vmem_shared>>
    tpu.enqueue_dma source(%dma_start3A_154 : memref<64x128xf32, #tpu.memory_space<vmem_shared>>) target(%dma_start3A_150 : memref<64x128xf32, #tpu.memory_space<hbm>>) target_semaphore(%arg26 : memref<!tpu.dma_semaphore, #tpu.memory_space<semaphore_mem>>)
    %dma_wait3A_155 = arith.constant 0 : i32
    %dma_wait3A_156 = tpu.memref_slice %arg4[%add3A_70, %dma_wait3A_155] : memref<16384x128xf32, #tpu.memory_space<hbm>> -> memref<64x128xf32, #tpu.memory_space<hbm>>
    %dma_wait3A_157 = arith.constant 0 : i32
    %dma_wait3A_158 = tpu.memref_slice %arg4[%add3A_70, %dma_wait3A_157] : memref<16384x128xf32, #tpu.memory_space<hbm>> -> memref<64x128xf32, #tpu.memory_space<hbm>>
    tpu.wait_dma2 semaphore(%arg27 : memref<!tpu.dma_semaphore, #tpu.memory_space<semaphore_mem>>) src(%arg11 : memref<64x128xf32, #tpu.memory_space<vmem>>) dst(%dma_wait3A_158 : memref<64x128xf32, #tpu.memory_space<hbm>>)
    %dma_wait3A_159 = arith.constant 0 : i32
    %dma_wait3A_160 = tpu.memref_slice %arg4[%add3A_81, %dma_wait3A_159] : memref<16384x128xf32, #tpu.memory_space<hbm>> -> memref<64x128xf32, #tpu.memory_space<hbm>>
    %dma_wait3A_161 = arith.constant 0 : i32
    %dma_wait3A_162 = tpu.memref_slice %arg4[%add3A_81, %dma_wait3A_161] : memref<16384x128xf32, #tpu.memory_space<hbm>> -> memref<64x128xf32, #tpu.memory_space<hbm>>
    tpu.wait_dma2 semaphore(%arg28 : memref<!tpu.dma_semaphore, #tpu.memory_space<semaphore_mem>>) src(%arg12 : memref<64x128xf32, #tpu.memory_space<vmem>>) dst(%dma_wait3A_162 : memref<64x128xf32, #tpu.memory_space<hbm>>)
    %dma_wait3A_163 = arith.constant 0 : i32
    %dma_wait3A_164 = tpu.memref_slice %arg4[%add3A_92, %dma_wait3A_163] : memref<16384x128xf32, #tpu.memory_space<hbm>> -> memref<64x128xf32, #tpu.memory_space<hbm>>
    %dma_wait3A_165 = arith.constant 0 : i32
    %dma_wait3A_166 = tpu.memref_slice %arg4[%add3A_92, %dma_wait3A_165] : memref<16384x128xf32, #tpu.memory_space<hbm>> -> memref<64x128xf32, #tpu.memory_space<hbm>>
    tpu.wait_dma2 semaphore(%arg29 : memref<!tpu.dma_semaphore, #tpu.memory_space<semaphore_mem>>) src(%arg13 : memref<64x128xf32, #tpu.memory_space<vmem>>) dst(%dma_wait3A_166 : memref<64x128xf32, #tpu.memory_space<hbm>>)
    %dma_wait3A_167 = arith.constant 0 : i32
    %dma_wait3A_168 = tpu.memref_slice %arg4[%add3A_103, %dma_wait3A_167] : memref<16384x128xf32, #tpu.memory_space<hbm>> -> memref<64x128xf32, #tpu.memory_space<hbm>>
    %dma_wait3A_169 = arith.constant 0 : i32
    %dma_wait3A_170 = tpu.memref_slice %arg4[%add3A_103, %dma_wait3A_169] : memref<16384x128xf32, #tpu.memory_space<hbm>> -> memref<64x128xf32, #tpu.memory_space<hbm>>
    tpu.wait_dma2 semaphore(%arg30 : memref<!tpu.dma_semaphore, #tpu.memory_space<semaphore_mem>>) src(%arg14 : memref<64x128xf32, #tpu.memory_space<vmem>>) dst(%dma_wait3A_170 : memref<64x128xf32, #tpu.memory_space<hbm>>)
    %dma_wait3A_171 = arith.constant 0 : i32
    %dma_wait3A_172 = tpu.memref_slice %arg4[%add3A_114, %dma_wait3A_171] : memref<16384x128xf32, #tpu.memory_space<hbm>> -> memref<64x128xf32, #tpu.memory_space<hbm>>
    %dma_wait3A_173 = arith.constant 0 : i32
    %dma_wait3A_174 = tpu.memref_slice %arg4[%add3A_114, %dma_wait3A_173] : memref<16384x128xf32, #tpu.memory_space<hbm>> -> memref<64x128xf32, #tpu.memory_space<hbm>>
    tpu.wait_dma2 semaphore(%arg31 : memref<!tpu.dma_semaphore, #tpu.memory_space<semaphore_mem>>) src(%arg15 : memref<64x128xf32, #tpu.memory_space<vmem>>) dst(%dma_wait3A_174 : memref<64x128xf32, #tpu.memory_space<hbm>>)
    %dma_wait3A_175 = arith.constant 0 : i32
    %dma_wait3A_176 = tpu.memref_slice %arg4[%add3A_125, %dma_wait3A_175] : memref<16384x128xf32, #tpu.memory_space<hbm>> -> memref<64x128xf32, #tpu.memory_space<hbm>>
    %dma_wait3A_177 = arith.constant 0 : i32
    %dma_wait3A_178 = tpu.memref_slice %arg4[%add3A_125, %dma_wait3A_177] : memref<16384x128xf32, #tpu.memory_space<hbm>> -> memref<64x128xf32, #tpu.memory_space<hbm>>
    tpu.wait_dma2 semaphore(%arg32 : memref<!tpu.dma_semaphore, #tpu.memory_space<semaphore_mem>>) src(%arg16 : memref<64x128xf32, #tpu.memory_space<vmem>>) dst(%dma_wait3A_178 : memref<64x128xf32, #tpu.memory_space<hbm>>)
    %dma_wait3A_179 = arith.constant 0 : i32
    %dma_wait3A_180 = tpu.memref_slice %arg4[%add3A_136, %dma_wait3A_179] : memref<16384x128xf32, #tpu.memory_space<hbm>> -> memref<64x128xf32, #tpu.memory_space<hbm>>
    %dma_wait3A_181 = arith.constant 0 : i32
    %dma_wait3A_182 = tpu.memref_slice %arg4[%add3A_136, %dma_wait3A_181] : memref<16384x128xf32, #tpu.memory_space<hbm>> -> memref<64x128xf32, #tpu.memory_space<hbm>>
    tpu.wait_dma2 semaphore(%arg33 : memref<!tpu.dma_semaphore, #tpu.memory_space<semaphore_mem>>) src(%arg17 : memref<64x128xf32, #tpu.memory_space<vmem>>) dst(%dma_wait3A_182 : memref<64x128xf32, #tpu.memory_space<hbm>>)
    %dma_wait3A_183 = arith.constant 0 : i32
    %dma_wait3A_184 = tpu.memref_slice %arg4[%mul3A_2, %dma_wait3A_183] : memref<16384x128xf32, #tpu.memory_space<hbm>> -> memref<64x128xf32, #tpu.memory_space<hbm>>
    %dma_wait3A_185 = arith.constant 0 : i32
    %dma_wait3A_186 = arith.constant 0 : i32
    %dma_wait3A_187 = tpu.memref_slice %arg6[%arg1, %dma_wait3A_185, %dma_wait3A_186] : memref<16x64x128xf32, #tpu.memory_space<vmem_shared>> -> memref<1x64x128xf32, #tpu.memory_space<vmem_shared>>
    %dma_wait3A_188 = tpu.memref_squeeze %dma_wait3A_187 : memref<1x64x128xf32, #tpu.memory_space<vmem_shared>> -> memref<64x128xf32, #tpu.memory_space<vmem_shared>>
    tpu.wait_dma2 semaphore(%arg26 : memref<!tpu.dma_semaphore, #tpu.memory_space<semaphore_mem>>) src(%dma_wait3A_188 : memref<64x128xf32, #tpu.memory_space<vmem_shared>>) dst(%dma_wait3A_184 : memref<64x128xf32, #tpu.memory_space<hbm>>)
    return
  }
}

</mosaic_0001>

<sc_bundles>
// kernel: kernel.3.cloned.1.call-start
scs
__scs_entry_jumppad:
0x0: {  	(pc) =	sbr.rel $0x88, $3  }
0x1: {  	(tag) =	ssettag $0x0;
	lr =	simm.s32 $0x1  }
0x2: {  	[smem:$0x3F9F] =	sst lr;
	_ =	strace $0xD0000000  }
0x3: {  	_ = 	snop  }
0x4: {  	_ = 	snop  }
0x5: {  	_ = 	snop  }
0x6: {  	_ = 	snop  }
0x7: {  	_ = 	snop  }
__scs_overlays_trampoline_lowered:
0x8: {  	[smem:$0x3FAE] =	sst s0  }
0x9: {  	[smem:$0x3FAF] =	sst s1  }
0xa: {  	[smem:$0x3FB0] =	sst s2  }
0xb: {  	[smem:$0x3FB1] =	sst s3  }
0xc: {  	[smem:$0x3FB2] =	sst s4  }
0xd: {  	[smem:$0x3FB3] =	sst s5  }
0xe: {  	[smem:$0x3FB4] =	sst s6  }
0xf: {  	[smem:$0x3FB5] =	sst s7  }
0x10: {  	[smem:$0x3FB6] =	sst s8  }
0x11: {  	[smem:$0x3FB7] =	sst s9;
	s0 =	simm.s32 @!p0 $0x0  }
0x12: {  	s1 =	sld [smem:$0x3F9D];
	s0 =	simm.s32 @p0 $0x1  }
0x13: {  	[smem:$0x3FB8] =	sst s0;
	s0 =	simm.s32 @!p1 $0x0  }
0x14: {  	s2 =	sld [smem:$0x3F9C];
	s0 =	simm.s32 @p1 $0x1  }
0x15: {  	[smem:$0x3FB9] =	sst s0;
	s0 =	simm.s32 @!p2 $0x0  }
0x16: {  	s3 =	sld [smem:$0x3FDB];
	s0 =	simm.s32 @p2 $0x1  }
0x17: {  	s4 =	simm.s32 $0x1BF5;
	[smem:$0x3FBB] =	sst s0  }
0x18: {  	s0 =	sld [smem:$0x3F9E];
	_ =	swait.ge [sflag:s4], $0x0  }
0x19: {  	s7 =	sld [smem:$0x3F9F]  }
0x1a: {  	s8 =	sadd.s32 $0xFFFFE003, lr  }
0x1b: {  	s9 =	sadd.s32 $0xFFFFFEF7, lr;
	s5 =	simm.s32 $0xFFFFFFFF;
	p2 =	slt.u32 s8, $0xFFFFF086  }
0x1c: {  	p1 =	slt.u32 s9, $0xF7A;
	s5 =	simm.s32 @!p2 $0x0  }
0x1d: {  	s5 =	simm.s32 @p1 $0x1;
	p0 =	seq.s32 s7, s2  }
0x1e: {  	s7 =	smul.u32 @!p0 $0xF7A, s2;
	p2 =	seq.s32 @!p0 s5, $0x0  }
0x1f: {  	s9 =	smul.u32 $0xF7A, s1;
	s8 =	simm.s32 @!p0 $0x1BF5;
	p2 =	por !p2, p0  }
0x20: {  	[sflag:s8] =	ssyncset.s32 @!p0 $0xFFFFF086;
	s6 =	sadd.s32 @!p0 s3, s7;
	s7 =	simm.s32 @!p0 $0x108  }
0x21: {  	s3 =	sadd.s32 s3, s9;
	s6 =	sadd.s32 @!p0 $0x88, s6;
	s7 =	simm.s32 @p2 $0x1082  }
0x22: {  	[simem:s7], [sflag:s8] =	dma.local @!p0 [hbm:s6], $0xF7A  }
0x23: {  	s9 =	sor.u32 $0xD0000000, s2;
	s6 =	simm.s32 $0x108;
	_ =	swait.ge @!p0 [sflag:s8], $0x0  }
0x24: {  	s3 =	sadd.s32 $0x88, s3;
	s6 =	simm.s32 @!p1 $0x1082;
	[sflag:s4] =	ssyncset.s32 $0xFFFFF086  }
0x25: {  	[simem:s6], [sflag:s4] =	dma.local [hbm:s3], $0xF7A  }
0x26: {  	[smem:$0x3F9F] =	sst s1;
	(tag) =	ssettag s2;
	_ =	strace s9  }
0x27: {  	s1 =	sld [smem:$0x3FAF]  }
0x28: {  	s2 =	sld [smem:$0x3FB0]  }
0x29: {  	s4 =	sld [smem:$0x3FB2]  }
0x2a: {  	p0 =	seq.s32 s5, $0x0;
	s5 =	sld [smem:$0x3FB3]  }
0x2b: {  	s6 =	sld [smem:$0x3FB4]  }
0x2c: {  	s7 =	sld [smem:$0x3FB5]  }
0x2d: {  	s3 =	simm.s32 $0x108;
	s8 =	sld [smem:$0x3FB6]  }
0x2e: {  	s3 =	simm.s32 @!p0 $0x1082;
	s9 =	sld [smem:$0x3FB7]  }
0x2f: {  	lr =	sadd.s32 s0, s3;
	s0 =	sld [smem:$0x3FAE]  }
0x30: {  	s3 =	sld [smem:$0x3FB1]  }
0x31: {  	[smem:$0x3FBA] =	sst s10  }
0x32: {  	s10 =	sld [smem:$0x3FB8];
	_ =	sdelay $0x3  }
0x33: {  	p0 =	seq.s32 s10, $0x1;
	s10 =	sld [smem:$0x3FBA];
	_ =	sdelay $0x3  }
0x34: {  	[smem:$0x3FBA] =	sst s10  }
0x35: {  	s10 =	sld [smem:$0x3FB9];
	_ =	sdelay $0x3  }
0x36: {  	p1 =	seq.s32 s10, $0x1;
	s10 =	sld [smem:$0x3FBA];
	_ =	sdelay $0x3  }
0x37: {  	[smem:$0x3FBA] =	sst s10  }
0x38: {  	s10 =	sld [smem:$0x3FBB]  }
0x39: {  	_ = 	snop;
	(pc) =	sbr.ind lr, $3  }
0x3a: {  	_ = 	snop  }
0x3b: {  	_ = 	snop  }
0x3c: {  	p2 =	seq.s32 s10, $0x1;
	s10 =	sld [smem:$0x3FBA]  }
0x3d: {  	_ =	shalt  }
0x3e: {  	_ =	shalt  }
0x3f: {  	_ =	shalt  }
0x40: {  	_ =	shalt  }
0x41: {  	_ =	shalt  }
0x42: {  	_ =	shalt  }
0x43: {  	_ =	shalt  }
0x44: {  	_ =	shalt  }
0x45: {  	_ =	shalt  }
0x46: {  	_ =	shalt  }
0x47: {  	_ =	shalt  }
0x48: {  	_ =	shalt  }
0x49: {  	_ =	shalt  }
0x4a: {  	_ =	shalt  }
0x4b: {  	_ =	shalt  }
0x4c: {  	_ =	shalt  }
0x4d: {  	_ =	shalt  }
0x4e: {  	_ =	shalt  }
0x4f: {  	_ =	shalt  }
0x50: {  	_ =	shalt  }
0x51: {  	_ =	shalt  }
0x52: {  	_ =	shalt  }
0x53: {  	_ =	shalt  }
0x54: {  	_ =	shalt  }
0x55: {  	_ =	shalt  }
0x56: {  	_ =	shalt  }
0x57: {  	_ =	shalt  }
0x58: {  	_ =	shalt  }
0x59: {  	_ =	shalt  }
0x5a: {  	_ =	shalt  }
0x5b: {  	_ =	shalt  }
0x5c: {  	_ =	shalt  }
0x5d: {  	_ =	shalt  }
0x5e: {  	_ =	shalt  }
0x5f: {  	_ =	shalt  }
0x60: {  	_ =	shalt  }
0x61: {  	_ =	shalt  }
0x62: {  	_ =	shalt  }
0x63: {  	_ =	shalt  }
0x64: {  	_ =	shalt  }
0x65: {  	_ =	shalt  }
0x66: {  	_ =	shalt  }
0x67: {  	_ =	shalt  }
0x68: {  	_ =	shalt  }
0x69: {  	_ =	shalt  }
0x6a: {  	_ =	shalt  }
0x6b: {  	_ =	shalt  }
0x6c: {  	_ =	shalt  }
0x6d: {  	_ =	shalt  }
0x6e: {  	_ =	shalt  }
0x6f: {  	_ =	shalt  }
0x70: {  	_ =	shalt  }
0x71: {  	_ =	shalt  }
0x72: {  	_ =	shalt  }
0x73: {  	_ =	shalt  }
0x74: {  	_ =	shalt  }
0x75: {  	_ =	shalt  }
0x76: {  	_ =	shalt  }
0x77: {  	_ =	shalt  }
0x78: {  	_ =	shalt  }
0x79: {  	_ =	shalt  }
0x7a: {  	_ =	shalt  }
0x7b: {  	_ =	shalt  }
0x7c: {  	_ =	shalt  }
0x7d: {  	_ =	shalt  }
0x7e: {  	_ =	shalt  }
0x7f: {  	_ =	shalt  }
0x80: {  	_ =	shalt  }
0x81: {  	_ =	shalt  }
0x82: {  	_ =	shalt  }
0x83: {  	_ =	shalt  }
0x84: {  	_ =	shalt  }
0x85: {  	_ =	shalt  }
0x86: {  	_ =	shalt  }
0x87: {  	_ =	shalt  }
.Lfunc_end0:
.L_simem_size_0:
called_computation_lowered:
.L_overlay_start_0:
0x88: {  	s2 =	sld [smem:$0x3FD9]  }
0x89: {  	s3 =	sld [smem:$0x3FFE];
	_ =	sdelay $0x1  }
0x8a: {  	s1 =	srdreg.scid  }
0x8b: {  	s0 =	sand.u32 $0x1, s1  }
0x8c: {  	s18 =	sshll.u32 s0, $0xA;
	s2 =	sadd.s32 s3, s2  }
0x8d: {  	s2 =	sadd.s32 s2, s18  }
0x8e: {  	[smem:$0x3FC6] =	sst s2  }
0x8f: {  	_ = 	snop  }
0x90: {  	s2 =	sld [smem:$0x3FC9]  }
0x91: {  	s19 =	sld [smem:$0x3FC8]  }
0x92: {  	s4 =	sld [smem:$0x3FD0];
	(tm) =	ssettm $0x1  }
0x93: {  	s5 =	sld [smem:$0x3FFB];
	_ =	sdelay $0x3  }
0x94: {  	_ =	strace s5  }
0x95: {  	s5 =	sld [smem:$0x3FFC];
	_ =	sdelay $0x3  }
0x96: {  	_ =	strace s5  }
0x97: {  	s5 =	sld [smem:$0x3FFD];
	_ =	sdelay $0x3  }
0x98: {  	_ =	strace s5  }
0x99: {  	_ =	strace $0x8FFFFFFF  }
0x9a: {  	s20 =	sld [smem:$0x3FDB];
	_ =	sdelay $0x1  }
0x9b: {  	s6 =	simm.s32 $_scs_section_size  }
0x9c: {  	s7 =	simm.s32 $_size__tile_overlayer_lowered;
	s8 =	simm.s32 $_tile_overlayer_lowered  }
0x9d: {  	s23 =	simm.s32 $0x1BFF;
	s22 =	sshll.u32 s8, $0x1;
	s5 =	sadd.s32 s6, s20  }
0x9e: {  	s9 =	simm.s32 $0x0;
	s21 =	sshll.u32 s7, $0x1;
	s7 =	sadd.s32 s22, s5  }
0x9f: {  	[timem:s9], [sflag:s23] =	dma.local [hbm:s7], s21  }
0xa0: {  	_ =	swait.ge [sflag:s23], s21  }
0xa1: {  	s6 =	ssub.s32 $0x0, s21;
	[sflag:s23] =	ssyncset.done $0x0  }
0xa2: {  	[sflag:s23] =	ssyncadd.s32 s6;
	_ =	sdelay $0x1  }
0xa3: {  	s24 =	simm.s32 $0x1B8B  }
0xa4: {  	_ =	swait.ge [sflag:s24], $0x1  }
0xa5: {  	[sflag:s24] =	ssyncset.done $0x0  }
0xa6: {  	s25 =	simm.s32 $0x1B8E;
	[sflag:s24] =	ssyncadd.s32 $0xFFFFFFFF  }
0xa7: {  	s26 =	simm.s32 $execute0_lowered;
	[smem:$0x3FD2] =	sst s25  }
0xa8: {  	s6 =	sshll.u32 s26, $0x1;
	_ =	strace $0x80000046;
	[dreg:$0x1] =	wrdreg $0xFFFFFFFF  }
0xa9: {  	s28 =	simm.s32 $_size_execute0_lowered;
	s5 =	sadd.s32 s5, s6;
	[dreg:$0x0] =	wrdreg $0x0  }
0xaa: {  	s6 =	sshll.u32 s28, $0x1;
	[dreg:$0x2] =	wrdreg s5  }
0xab: {  	[dreg:$0x3] =	wrdreg s6  }
0xac: {  	[dreg:$0x4] =	wrdreg $0xC0  }
0xad: {  	_ =	task [dreg:s9], $0x5FFFF  }
0xae: {  	[dreg:$0x1] =	wrdreg $0xFFFFFFFF  }
0xaf: {  	[dreg:$0x0] =	wrdreg $0x60  }
0xb0: {  	[dreg:$0x2] =	wrdreg s2  }
0xb1: {  	[dreg:$0x3] =	wrdreg s19  }
0xb2: {  	[dreg:$0x4] =	wrdreg s4  }
0xb3: {  	[dreg:$0x5] =	wrdreg $0x0  }
0xb4: {  	[dreg:$0x6] =	wrdreg $0x9600  }
0xb5: {  	[dreg:$0x7] =	wrdreg $0x9  }
0xb6: {  	_ =	task.clear_ibuf [dreg:s9], $0x8FFFF;
	_ =	strace $0x90000046  }
0xb7: {  	s29 =	simm.s32 $0x9;
	_ =	strace $0x80000048  }
0xb8: {  	_ =	swait.ge [sflag:s29], $0x1  }
0xb9: {  	[sflag:s29] =	ssyncadd.s32 $0xFFFFFFFF  }
0xba: {  	_ =	strace $0x90000048  }
0xbb: {  	_ =	sfence  }
0xbc: {  	s30 =	sld [smem:$0x0];
	_ =	sdelay $0x2  }
0xbd: {  	s31 =	sshll.u32 s1, $0xD;
	s1 =	sshrl.u32 s1, $0x2  }
0xbe: {  	s3 =	sand.u32 $0x4000, s31;
	s1 =	sadd.s32 s1, s30  }
0xbf: {  	s0 =	sor.u32 s3, s0;
	s1 =	sshll.u32 s1, $0x11  }
0xc0: {  	s0 =	sor.u32 s1, s0  }
0xc1: {  	s0 =	sadd.s32 $0x8F2B, s0  }
0xc2: {  	[sflag:s0] =	ssyncadd.remote.s32 $0x1  }
0xc3: {  	_ =	sfence.sel $0xFFFF  }
0xc4: {  	[dreg:$0x0] =	wrdreg $0xFFFFFFFF;
	(pc) =	sbr.abs _section_cstart, $3  }
0xc5: {  	[dreg:$0x1] =	wrdreg $0xFFFFFFFF  }
0xc6: {  	_ =	task.clear_ibuf [dreg:s9], $0x2FFFF;
	_ =	strace $0x9FFFFFFF  }
0xc7: {  	(tm) =	ssettm $0x7FFFFFFF  }
tec
execute0_lowered:
.L_overlay_start_1:
0x0: {  	(tag) =	ssettag $0x1  }
0x1: {  	s1 =	rddreg [dreg:$0x0]  }
0x2: {  	s4 =	rddreg [dreg:$0x1]  }
0x3: {  	s5 =	rddreg [dreg:$0x2]  }
0x4: {  	s0 =	srdreg.scid;
	s2 =	rddreg [dreg:$0x3]  }
0x5: {  	s3 =	simm.s32 $0x0;
	s11 =	sand.u32 $0x1, s0;
	s0 =	rddreg [dreg:$0x4]  }
0x6: {  	[smem:$0x7FF] =	sst s3;
	s24 =	sadd.s32 $0x1200, s4  }
0x7: {  	s14 =	simm.s32 $0x29A0;
	_ =	strace $0x80000047;
	[dreg:$0x7] =	wrdreg s24  }
0x8: {  	s15 =	simm.s32 $0x29E0;
	[dreg:$0x13] =	wrdreg s14  }
0x9: {  	s16 =	simm.s32 $0x2A20;
	[dreg:$0x14] =	wrdreg s15  }
0xa: {  	s12 =	stileid.u32;
	s17 =	simm.s32 $0x2A60;
	[dreg:$0x15] =	wrdreg s16  }
0xb: {  	s18 =	simm.s32 $0x2AA0;
	s19 =	simm.s32 $0x2AE0;
	[dreg:$0x16] =	wrdreg s17  }
0xc: {  	s21 =	simm.s32 $0x2B20;
	s6 =	sshll.u32 s12, $0xA;
	[dreg:$0x17] =	wrdreg s18  }
0xd: {  	s23 =	smul.u32 $0x180, s12;
	s7 =	sshll.u32 s11, $0x9;
	[dreg:$0x18] =	wrdreg s19  }
0xe: {  	[dreg:$0x19] =	wrdreg s21;
	s6 =	sor.u32 s7, s6  }
0xf: {  	s25 =	sadd.s32 s4, s23;
	s7 =	sshrl.u32 s6, $0x3;
	s6 =	sshll.u32 s6, $0x4  }
0x10: {  	[dreg:$0x8] =	wrdreg s25;
	s1 =	sadd.s32 s1, s7;
	s13 =	sadd.s32 s5, s6  }
0x11: {  	[dreg:$0x6] =	wrdreg s1;
	s26 =	sadd.s32 $0x400, s13  }
0x12: {  	s31 =	sadd.s32 $0x800, s13;
	[dreg:$0x9] =	wrdreg s26  }
0x13: {  	s6 =	sadd.s32 $0xC00, s13;
	[dreg:$0xa] =	wrdreg s31  }
0x14: {  	p0 =	sgt.u32 s12, $0xB;
	s7 =	sadd.s32 $0x1000, s13;
	[dreg:$0xb] =	wrdreg s6  }
0x15: {  	p1 =	sne.s32 @p0 s12, $0xC;
	s8 =	sadd.s32 $0x1400, s13;
	[dreg:$0xc] =	wrdreg s7  }
0x16: {  	p1 =	por p1, !p0;
	s9 =	sadd.s32 $0x1800, s13;
	[dreg:$0xd] =	wrdreg s8  }
0x17: {  	s5 =	sadd.s32 $0x9000, s2;
	s10 =	sadd.s32 $0x1C00, s13;
	[dreg:$0xe] =	wrdreg s9  }
0x18: {  	s30 =	smul.u32 $0x3000, s12;
	s1 =	sshrl.u32 @!p1 s5, $0x3;
	[dreg:$0xf] =	wrdreg s10  }
0x19: {  	[dreg:$0x10] =	wrdreg s1  }
0x1a: {  	s4 =	sshrl.u32 s30, $0x2;
	s5 =	sshll.u32 @!p0 s12, $0x6;
	s20 =	rddreg [dreg:$0x6]  }
0x1b: {  	s4 =	sadd.s32 s4, s2;
	s1 =	sor.u32 @!p0 $0x1C13, s5;
	s6 =	rddreg [dreg:$0x7]  }
0x1c: {  	s14 =	simm.s32 $0x2960;
	[dreg:$0x11] =	wrdreg s1;
	s1 =	sshrl.u32 @!p0 s4, $0x3  }
0x1d: {  	[tilespmem:s14], [sflag:$0x1] =	stream.linear.gather [hbm4b:s20+s3], $0x200, $0x38;
	[tilespmem:$0x12B60] =	vst v63  }
0x1e: {  	[dreg:$0x12] =	wrdreg s1  }
0x1f: {  	s5 =	simm.s32 @!p1 $0x1F13;
	s7 =	simm.s32 @!p1 $0x13;
	s1 =	rddreg [dreg:$0x10]  }
0x20: {  	[spmem:s1], [sflag:s5] =	dma.local @!p1 [hbm:s6], $0xC0  }
0x21: {  	_ =	swait.ge @!p1 [sflag:s7], $0xC0  }
0x22: {  	s1 =	rddreg [dreg:$0x12]  }
0x23: {  	s4 =	rddreg [dreg:$0x8];
	[sflag:s7] =	ssyncset.done @!p1 $0x0  }
0x24: {  	s6 =	simm.s32 @!p0 $0x13;
	s5 =	rddreg [dreg:$0x11];
	[sflag:s7] =	ssyncadd.s32 @!p1 $0xFFFFFF40  }
0x25: {  	[spmem:s1], [sflag:s5] =	dma.local @!p0 [hbm:s4], $0x180  }
0x26: {  	_ =	swait.ge @!p0 [sflag:s6], $0x180  }
0x27: {  	[sflag:s6] =	ssyncset.done @!p0 $0x0  }
0x28: {  	[sflag:s6] =	ssyncadd.s32 @!p0 $0xFFFFFE80  }
0x29: {  	s9 =	simm.s32 $0x1;
	[bflag:$0x0] =	sbarrier.arrive $0xFFFF  }
0x2a: {  	_ =	swait.ge [sflag:s9], $0x200  }
0x2b: {  	[sflag:s9] =	ssyncset.done $0x0  }
0x2c: {  	s22 =	simm.s32 $0x2B60;
	s10 =	simm.s32 $0x40;
	[sflag:s9] =	ssyncadd.s32 $0xFFFFFE00  }
0x2d: {  	[tilespmem:s22], [sflag:$0x3] =	stream.indirect.gather [spmem:s2], $0x80, s14, s10, $0xb8;
	[tilespmem:$0x12B60] =	vst v63  }
0x2e: {  	s24 =	simm.s32 $0x4B60;
	s23 =	rddreg [dreg:$0x13]  }
0x2f: {  	[tilespmem:s24], [sflag:$0x4] =	stream.indirect.gather [spmem:s2], $0x80, s23, s10, $0xb8;
	[tilespmem:$0x12B60] =	vst v63  }
0x30: {  	s7 =	simm.s32 $0x6B60;
	s31 =	rddreg [dreg:$0x14]  }
0x31: {  	[tilespmem:s7], [sflag:$0x5] =	stream.indirect.gather [spmem:s2], $0x80, s31, s10, $0xb8;
	[tilespmem:$0x12B60] =	vst v63  }
0x32: {  	s15 =	simm.s32 $0x8B60;
	s17 =	rddreg [dreg:$0x15]  }
0x33: {  	[tilespmem:s15], [sflag:$0x6] =	stream.indirect.gather [spmem:s2], $0x80, s17, s10, $0xb8;
	[tilespmem:$0x12B60] =	vst v63  }
0x34: {  	s16 =	simm.s32 $0xAB60;
	s18 =	rddreg [dreg:$0x16]  }
0x35: {  	[tilespmem:s16], [sflag:$0x7] =	stream.indirect.gather [spmem:s2], $0x80, s18, s10, $0xb8;
	[tilespmem:$0x12B60] =	vst v63  }
0x36: {  	s20 =	simm.s32 $0xCB60;
	s19 =	rddreg [dreg:$0x17]  }
0x37: {  	[tilespmem:s20], [sflag:$0x8] =	stream.indirect.gather [spmem:s2], $0x80, s19, s10, $0xb8;
	[tilespmem:$0x12B60] =	vst v63  }
0x38: {  	s8 =	simm.s32 $0xEB60;
	s25 =	rddreg [dreg:$0x18]  }
0x39: {  	[tilespmem:s8], [sflag:$0x9] =	stream.indirect.gather [spmem:s2], $0x80, s25, s10, $0xb8;
	[tilespmem:$0x12B60] =	vst v63  }
0x3a: {  	s30 =	simm.s32 $0x10B60;
	s26 =	rddreg [dreg:$0x19];
	s19 =	simm.s32 $0x3  }
0x3b: {  	[tilespmem:s30], [sflag:$0xA] =	stream.indirect.gather [spmem:s2], $0x80, s26, s10, $0xb8;
	[tilespmem:$0x12B60] =	vst v63  }
0x3c: {  	_ =	swait.ge [sflag:s19], $0x2000  }
0x3d: {  	s31 =	sshll.u32 s12, $0xD;
	[sflag:s19] =	ssyncset.done $0x0  }
0x3e: {  	s21 =	simm.s32 $0x4;
	s1 =	sadd.s32 s31, s0;
	[sflag:s19] =	ssyncadd.s32 $0xFFFFE000  }
0x3f: {  	[spmem:s1] =	stream.linear.scatter [tilespmem:s22], [sflag:$0x2], $0x2000, $0x38;
	[tilespmem:$0x12B60] =	vst v63  }
0x40: {  	_ =	swait.ge [sflag:s21], $0x2000  }
0x41: {  	[sflag:s21] =	ssyncset.done $0x0  }
0x42: {  	s22 =	simm.s32 $0x5;
	s5 =	rddreg [dreg:$0x9];
	[sflag:s21] =	ssyncadd.s32 $0xFFFFE000  }
0x43: {  	[hbm4b:s5+s3] =	stream.linear.scatter [tilespmem:s24], [sflag:$0xC], $0x2000, $0x38;
	[tilespmem:$0x12B60] =	vst v63  }
0x44: {  	_ =	swait.ge [sflag:s22], $0x2000  }
0x45: {  	[sflag:s22] =	ssyncset.done $0x0  }
0x46: {  	s23 =	simm.s32 $0x6;
	s6 =	rddreg [dreg:$0xa];
	[sflag:s22] =	ssyncadd.s32 $0xFFFFE000  }
0x47: {  	[hbm4b:s6+s3] =	stream.linear.scatter [tilespmem:s7], [sflag:$0xD], $0x2000, $0x38;
	[tilespmem:$0x12B60] =	vst v63  }
0x48: {  	_ =	swait.ge [sflag:s23], $0x2000  }
0x49: {  	[sflag:s23] =	ssyncset.done $0x0  }
0x4a: {  	s24 =	simm.s32 $0x7;
	s14 =	rddreg [dreg:$0xb];
	[sflag:s23] =	ssyncadd.s32 $0xFFFFE000  }
0x4b: {  	[hbm4b:s14+s3] =	stream.linear.scatter [tilespmem:s15], [sflag:$0xE], $0x2000, $0x38;
	[tilespmem:$0x12B60] =	vst v63  }
0x4c: {  	_ =	swait.ge [sflag:s24], $0x2000  }
0x4d: {  	[sflag:s24] =	ssyncset.done $0x0  }
0x4e: {  	s25 =	simm.s32 $0x8;
	s15 =	rddreg [dreg:$0xc];
	[sflag:s24] =	ssyncadd.s32 $0xFFFFE000  }
0x4f: {  	[hbm4b:s15+s3] =	stream.linear.scatter [tilespmem:s16], [sflag:$0xF], $0x2000, $0x38;
	[tilespmem:$0x12B60] =	vst v63  }
0x50: {  	_ =	swait.ge [sflag:s25], $0x2000  }
0x51: {  	[sflag:s25] =	ssyncset.done $0x0  }
0x52: {  	s26 =	simm.s32 $0x9;
	s16 =	rddreg [dreg:$0xd];
	[sflag:s25] =	ssyncadd.s32 $0xFFFFE000  }
0x53: {  	[hbm4b:s16+s3] =	stream.linear.scatter [tilespmem:s20], [sflag:$0x10], $0x2000, $0x38;
	[tilespmem:$0x12B60] =	vst v63  }
0x54: {  	_ =	swait.ge [sflag:s26], $0x2000  }
0x55: {  	[sflag:s26] =	ssyncset.done $0x0  }
0x56: {  	s28 =	simm.s32 $0xA;
	s17 =	rddreg [dreg:$0xe];
	[sflag:s26] =	ssyncadd.s32 $0xFFFFE000  }
0x57: {  	[hbm4b:s17+s3] =	stream.linear.scatter [tilespmem:s8], [sflag:$0x11], $0x2000, $0x38;
	[tilespmem:$0x12B60] =	vst v63  }
0x58: {  	_ =	swait.ge [sflag:s28], $0x2000  }
0x59: {  	[sflag:s28] =	ssyncset.done $0x0  }
0x5a: {  	s29 =	simm.s32 $0x2;
	s18 =	rddreg [dreg:$0xf];
	[sflag:s28] =	ssyncadd.s32 $0xFFFFE000  }
0x5b: {  	[hbm4b:s18+s3] =	stream.linear.scatter [tilespmem:s30], [sflag:$0x12], $0x2000, $0x38;
	[tilespmem:$0x12B60] =	vst v63  }
0x5c: {  	s20 =	sshll.u32 s12, $0x6;
	_ =	swait.ge [sflag:s29], $0x2000;
	[dreg:$0x1b] =	wrdreg s1  }
0x5d: {  	s0 =	sor.u32 $0x1C0B, s20;
	[dreg:$0x1a] =	wrdreg s13  }
0x5e: {  	s1 =	sshrl.u32 s1, $0x3;
	[dreg:$0x1c] =	wrdreg s0;
	[sflag:s29] =	ssyncset.done $0x0  }
0x5f: {  	[dreg:$0x1d] =	wrdreg s1;
	[sflag:s29] =	ssyncadd.s32 $0xFFFFE000  }
0x60: {  	[hbm:s13], [sflag:s0] =	dma.local [spmem:s1], $0x400  }
0x61: {  	s1 =	simm.s32 $0xC  }
0x62: {  	_ =	swait.ge [sflag:s1], $0x2000  }
0x63: {  	[sflag:s1] =	ssyncset.done $0x0  }
0x64: {  	s0 =	simm.s32 $0xD;
	[sflag:s1] =	ssyncadd.s32 $0xFFFFE000  }
0x65: {  	_ =	swait.ge [sflag:s0], $0x2000  }
0x66: {  	[sflag:s0] =	ssyncset.done $0x0  }
0x67: {  	s6 =	simm.s32 $0xE;
	[sflag:s0] =	ssyncadd.s32 $0xFFFFE000  }
0x68: {  	_ =	swait.ge [sflag:s6], $0x2000  }
0x69: {  	[sflag:s6] =	ssyncset.done $0x0  }
0x6a: {  	s4 =	simm.s32 $0xF;
	[sflag:s6] =	ssyncadd.s32 $0xFFFFE000  }
0x6b: {  	_ =	swait.ge [sflag:s4], $0x2000  }
0x6c: {  	s30 =	ssub.s32 $0x2, s11;
	[sflag:s4] =	ssyncset.done $0x0  }
0x6d: {  	s5 =	simm.s32 $0x10;
	s31 =	sshrl.u32 s30, $0x1;
	[sflag:s4] =	ssyncadd.s32 $0xFFFFE000  }
0x6e: {  	s12 =	ssub.s32 s30, s31;
	_ =	swait.ge [sflag:s5], $0x2000  }
0x6f: {  	s13 =	smax.u32 s12, $0x1;
	[sflag:s5] =	ssyncset.done $0x0  }
0x70: {  	s11 =	simm.s32 $0x11;
	s13 =	sadd.s32 $0xFFFFFFFF, s13;
	[sflag:s5] =	ssyncadd.s32 $0xFFFFE000  }
0x71: {  	p2 =	sne.s32 s13, $0x0;
	_ =	swait.ge [sflag:s11], $0x2000  }
.Ltmp0:
0x72: {  	[sflag:s11] =	ssyncset.done $0x0;
	(pc) =	sbr.rel @!p2 .LBB2_3-.Ltmp0, $4  }
0x73: {  	s12 =	simm.s32 $0x12;
	[sflag:s11] =	ssyncadd.s32 $0xFFFFE000  }
0x74: {  	_ =	swait.ge [sflag:s12], $0x2000  }
0x75: {  	[sflag:s12] =	ssyncset.done $0x0  }
0x76: {  	s14 =	simm.s32 $0xB;
	[sflag:s12] =	ssyncadd.s32 $0xFFFFE000  }
0x77: {  	s30 =	simm.s32 $0x2B60;
	s31 =	simm.s32 $0x6B60;
	s18 =	simm.s32 $0x8B60  }
.LBB2_2:
0x78: {  	_ =	swait.ge [sflag:s14], $0x400  }
0x79: {  	s15 =	rddreg [dreg:$0x10];
	[sflag:s14] =	ssyncset.done $0x0  }
0x7a: {  	s20 =	simm.s32 $0x2960;
	s16 =	rddreg [dreg:$0x6];
	[sflag:s14] =	ssyncadd.s32 $0xFFFFFC00  }
0x7b: {  	[tilespmem:s20], [sflag:$0x1] =	stream.linear.gather [hbm4b:s16+s3], $0x200, $0x38;
	[tilespmem:$0x12B60] =	vst v63  }
0x7c: {  	s7 =	simm.s32 @!p1 $0x13;
	s17 =	rddreg [dreg:$0x7];
	s16 =	simm.s32 @!p1 $0x1F13  }
0x7d: {  	[spmem:s15], [sflag:s16] =	dma.local @!p1 [hbm:s17], $0xC0  }
0x7e: {  	_ =	swait.ge @!p1 [sflag:s7], $0xC0  }
0x7f: {  	s15 =	rddreg [dreg:$0x12]  }
0x80: {  	[sflag:s7] =	ssyncset.done @!p1 $0x0;
	s16 =	rddreg [dreg:$0x8]  }
0x81: {  	s17 =	rddreg [dreg:$0x11];
	[sflag:s7] =	ssyncadd.s32 @!p1 $0xFFFFFF40;
	s7 =	simm.s32 @!p0 $0x13  }
0x82: {  	[spmem:s15], [sflag:s17] =	dma.local @!p0 [hbm:s16], $0x180  }
0x83: {  	_ =	swait.ge @!p0 [sflag:s7], $0x180  }
0x84: {  	[sflag:s7] =	ssyncset.done @!p0 $0x0  }
0x85: {  	[sflag:s7] =	ssyncadd.s32 @!p0 $0xFFFFFE80  }
0x86: {  	[bflag:$0x0] =	sbarrier.arrive $0xFFFF  }
0x87: {  	_ =	swait.ge [sflag:s9], $0x200  }
0x88: {  	[sflag:s9] =	ssyncset.done $0x0  }
0x89: {  	[sflag:s9] =	ssyncadd.s32 $0xFFFFFE00  }
0x8a: {  	[tilespmem:s30], [sflag:$0x3] =	stream.indirect.gather [spmem:s2], $0x80, s20, s10, $0xb8;
	[tilespmem:$0x12B60] =	vst v63  }
0x8b: {  	s16 =	rddreg [dreg:$0x13];
	s20 =	simm.s32 $0x4B60  }
0x8c: {  	[tilespmem:s20], [sflag:$0x4] =	stream.indirect.gather [spmem:s2], $0x80, s16, s10, $0xb8;
	[tilespmem:$0x12B60] =	vst v63  }
0x8d: {  	s17 =	rddreg [dreg:$0x14]  }
0x8e: {  	[tilespmem:s31], [sflag:$0x5] =	stream.indirect.gather [spmem:s2], $0x80, s17, s10, $0xb8;
	[tilespmem:$0x12B60] =	vst v63  }
0x8f: {  	s7 =	rddreg [dreg:$0x15]  }
0x90: {  	[tilespmem:s18], [sflag:$0x6] =	stream.indirect.gather [spmem:s2], $0x80, s7, s10, $0xb8;
	[tilespmem:$0x12B60] =	vst v63  }
0x91: {  	s8 =	rddreg [dreg:$0x16];
	s7 =	simm.s32 $0xAB60  }
0x92: {  	[tilespmem:s7], [sflag:$0x7] =	stream.indirect.gather [spmem:s2], $0x80, s8, s10, $0xb8;
	[tilespmem:$0x12B60] =	vst v63  }
0x93: {  	s16 =	rddreg [dreg:$0x17];
	s8 =	simm.s32 $0xCB60  }
0x94: {  	[tilespmem:s8], [sflag:$0x8] =	stream.indirect.gather [spmem:s2], $0x80, s16, s10, $0xb8;
	[tilespmem:$0x12B60] =	vst v63  }
0x95: {  	s17 =	rddreg [dreg:$0x18];
	s16 =	simm.s32 $0xEB60  }
0x96: {  	[tilespmem:s16], [sflag:$0x9] =	stream.indirect.gather [spmem:s2], $0x80, s17, s10, $0xb8;
	[tilespmem:$0x12B60] =	vst v63  }
0x97: {  	s15 =	rddreg [dreg:$0x19];
	s17 =	simm.s32 $0x10B60  }
0x98: {  	[tilespmem:s17], [sflag:$0xA] =	stream.indirect.gather [spmem:s2], $0x80, s15, s10, $0xb8;
	[tilespmem:$0x12B60] =	vst v63  }
0x99: {  	_ =	swait.ge [sflag:s19], $0x2000  }
0x9a: {  	[sflag:s19] =	ssyncset.done $0x0  }
0x9b: {  	s15 =	rddreg [dreg:$0x1b];
	[sflag:s19] =	ssyncadd.s32 $0xFFFFE000  }
0x9c: {  	[spmem:s15] =	stream.linear.scatter [tilespmem:s30], [sflag:$0x2], $0x2000, $0x38;
	[tilespmem:$0x12B60] =	vst v63  }
0x9d: {  	_ =	swait.ge [sflag:s21], $0x2000  }
0x9e: {  	[sflag:s21] =	ssyncset.done $0x0  }
0x9f: {  	s15 =	rddreg [dreg:$0x9];
	[sflag:s21] =	ssyncadd.s32 $0xFFFFE000  }
0xa0: {  	[hbm4b:s15+s3] =	stream.linear.scatter [tilespmem:s20], [sflag:$0xC], $0x2000, $0x38;
	[tilespmem:$0x12B60] =	vst v63  }
0xa1: {  	_ =	swait.ge [sflag:s22], $0x2000  }
0xa2: {  	[sflag:s22] =	ssyncset.done $0x0  }
0xa3: {  	s20 =	rddreg [dreg:$0xa];
	[sflag:s22] =	ssyncadd.s32 $0xFFFFE000  }
0xa4: {  	[hbm4b:s20+s3] =	stream.linear.scatter [tilespmem:s31], [sflag:$0xD], $0x2000, $0x38;
	[tilespmem:$0x12B60] =	vst v63  }
0xa5: {  	_ =	swait.ge [sflag:s23], $0x2000  }
0xa6: {  	[sflag:s23] =	ssyncset.done $0x0  }
0xa7: {  	s20 =	rddreg [dreg:$0xb];
	[sflag:s23] =	ssyncadd.s32 $0xFFFFE000  }
0xa8: {  	[hbm4b:s20+s3] =	stream.linear.scatter [tilespmem:s18], [sflag:$0xE], $0x2000, $0x38;
	[tilespmem:$0x12B60] =	vst v63  }
0xa9: {  	_ =	swait.ge [sflag:s24], $0x2000  }
0xaa: {  	[sflag:s24] =	ssyncset.done $0x0  }
0xab: {  	s20 =	rddreg [dreg:$0xc];
	[sflag:s24] =	ssyncadd.s32 $0xFFFFE000  }
0xac: {  	[hbm4b:s20+s3] =	stream.linear.scatter [tilespmem:s7], [sflag:$0xF], $0x2000, $0x38;
	[tilespmem:$0x12B60] =	vst v63  }
0xad: {  	_ =	swait.ge [sflag:s25], $0x2000  }
0xae: {  	[sflag:s25] =	ssyncset.done $0x0  }
0xaf: {  	s20 =	rddreg [dreg:$0xd];
	[sflag:s25] =	ssyncadd.s32 $0xFFFFE000  }
0xb0: {  	[hbm4b:s20+s3] =	stream.linear.scatter [tilespmem:s8], [sflag:$0x10], $0x2000, $0x38;
	[tilespmem:$0x12B60] =	vst v63  }
0xb1: {  	_ =	swait.ge [sflag:s26], $0x2000  }
0xb2: {  	[sflag:s26] =	ssyncset.done $0x0  }
0xb3: {  	s7 =	rddreg [dreg:$0xe];
	[sflag:s26] =	ssyncadd.s32 $0xFFFFE000  }
0xb4: {  	[hbm4b:s7+s3] =	stream.linear.scatter [tilespmem:s16], [sflag:$0x11], $0x2000, $0x38;
	[tilespmem:$0x12B60] =	vst v63  }
0xb5: {  	_ =	swait.ge [sflag:s28], $0x2000  }
0xb6: {  	[sflag:s28] =	ssyncset.done $0x0  }
0xb7: {  	s8 =	rddreg [dreg:$0xf];
	[sflag:s28] =	ssyncadd.s32 $0xFFFFE000  }
0xb8: {  	[hbm4b:s8+s3] =	stream.linear.scatter [tilespmem:s17], [sflag:$0x12], $0x2000, $0x38;
	[tilespmem:$0x12B60] =	vst v63  }
0xb9: {  	_ =	swait.ge [sflag:s29], $0x2000  }
0xba: {  	s16 =	rddreg [dreg:$0x1a]  }
0xbb: {  	[sflag:s29] =	ssyncset.done $0x0;
	s17 =	rddreg [dreg:$0x1c]  }
0xbc: {  	s20 =	rddreg [dreg:$0x1d];
	[sflag:s29] =	ssyncadd.s32 $0xFFFFE000  }
0xbd: {  	[hbm:s16], [sflag:s17] =	dma.local [spmem:s20], $0x400  }
0xbe: {  	_ =	swait.ge [sflag:s1], $0x2000  }
0xbf: {  	[sflag:s1] =	ssyncset.done $0x0  }
0xc0: {  	[sflag:s1] =	ssyncadd.s32 $0xFFFFE000  }
0xc1: {  	_ =	swait.ge [sflag:s0], $0x2000  }
0xc2: {  	[sflag:s0] =	ssyncset.done $0x0  }
0xc3: {  	[sflag:s0] =	ssyncadd.s32 $0xFFFFE000  }
0xc4: {  	_ =	swait.ge [sflag:s6], $0x2000  }
0xc5: {  	[sflag:s6] =	ssyncset.done $0x0  }
0xc6: {  	[sflag:s6] =	ssyncadd.s32 $0xFFFFE000  }
0xc7: {  	_ =	swait.ge [sflag:s4], $0x2000  }
0xc8: {  	[sflag:s4] =	ssyncset.done $0x0  }
0xc9: {  	[sflag:s4] =	ssyncadd.s32 $0xFFFFE000  }
0xca: {  	_ =	swait.ge [sflag:s5], $0x2000  }
0xcb: {  	[sflag:s5] =	ssyncset.done $0x0  }
0xcc: {  	s13 =	sadd.s32 $0xFFFFFFFF, s13;
	[sflag:s5] =	ssyncadd.s32 $0xFFFFE000  }
0xcd: {  	p2 =	sne.s32 s13, $0x0;
	_ =	swait.ge [sflag:s11], $0x2000  }
.Ltmp1:
0xce: {  	[sflag:s11] =	ssyncset.done $0x0;
	(pc) =	sbr.rel @p2 .LBB2_2-.Ltmp1, $4  }
0xcf: {  	[sflag:s11] =	ssyncadd.s32 $0xFFFFE000  }
0xd0: {  	_ =	swait.ge [sflag:s12], $0x2000  }
0xd1: {  	[sflag:s12] =	ssyncset.done $0x0  }
0xd2: {  	[sflag:s12] =	ssyncadd.s32 $0xFFFFE000  }
.LBB2_3:
0xd3: {  	_ =	swait.ge [sflag:s14], $0x400  }
0xd4: {  	[sflag:s14] =	ssyncset.done $0x0  }
0xd5: {  	[sflag:s14] =	ssyncadd.s32 $0xFFFFFC00  }
0xd6: {  	_ =	sfence.sel $0x180000  }
0xd7: {  	[bflag:$0x0] =	sbarrier.arrive $0xFFFF  }
0xd8: {  	_ =	strace $0x90000047  }
0xd9: {  	s0 =	stileid.u32;
	[bflag:$0x2] =	sbarrier.arrive $0xFFFF  }
0xda: {  	p0 =	sne.s32 s0, $0x0;
	s0 =	rddreg [dreg:$0x5]  }
0xdb: {  	s0 =	sadd.s32 @!p0 $0x100000, s0  }
0xdc: {  	[sflag:s0] =	ssyncadd.tile.s32 @!p0 $0x1;
	_ =	shalt  }
.Lfunc_end2:
_tile_overlayer_lowered:
.L_overlay_start_2:
0xdd: {  	(tag) =	ssettag $0x2  }
0xde: {  	s0 =	rddreg [dreg:$0x0];
	s2 =	stileid.u32  }
0xdf: {  	s1 =	rddreg [dreg:$0x1];
	p0 =	sne.s32 s2, $0x0  }
0xe0: {  	s3 =	rddreg [dreg:$0x2];
	[bflag:$0x3] =	sbarrier.arrive $0xFFFF;
	s2 =	simm.s32 @!p0 $0x1C13  }
0xe1: {  	[timem:s3], [sflag:s2] =	dma.local @!p0 [hbm:s0], s1  }
0xe2: {  	s0 =	simm.s32 @!p0 $0x13  }
0xe3: {  	_ =	swait.ge @!p0 [sflag:s0], s1  }
0xe4: {  	s1 =	ssub.s32 @!p0 $0x0, s1;
	[sflag:s0] =	ssyncset.done @!p0 $0x0  }
0xe5: {  	[sflag:s0] =	ssyncadd.s32 @!p0 s1  }
0xe6: {  	[bflag:$0x3] =	sbarrier.arrive $0xFFFF  }
0xe7: {  	_ =	shalt  }

</sc_bundles>
